<compile_context>
chip_gen: v7x
topology: tpu7x:2x2x1
jax: 0.10.2.dev20260603
libtpu: 0.0.44.dev20260713+nightly
codegen_flags: <defaults>
</compile_context>

<pallas_src>
import functools

import jax
import jax.numpy as jnp
from jax import lax
from jax.experimental import pallas as pl
from jax.experimental.pallas import tpu as pltpu
from jax.experimental.pallas import tpu_sc as plsc

N = 100000
E = 3200000
D = 128
DE = 16
OUT = 128

NUM_SC = 2
NUM_SUBCORES = 16
NUM_WORKERS = NUM_SC * NUM_SUBCORES

NPAD = 100096
ACC_LEN = NPAD * DE
ZSLICE = ACC_LEN // NUM_SUBCORES

TOTAL_ELEMS = E * DE
SLAB = 6400
NUM_SLABS = TOTAL_ELEMS // SLAB
SLABS_PER_W = NUM_SLABS // NUM_WORKERS

EC = E // 128


def _sc_segment_sum(vals1, oidx2, zeros1):
  mesh = plsc.VectorSubcoreMesh(core_axis_name="c", subcore_axis_name="s")

  @functools.partial(
      pl.kernel,
      out_type=jax.ShapeDtypeStruct((NUM_SC * ACC_LEN,), jnp.float32),
      mesh=mesh,
      scratch_types=[
          pltpu.VMEM((SLAB,), jnp.float32),
          pltpu.VMEM((SLAB,), jnp.float32),
          pltpu.VMEM((SLAB,), jnp.int32),
          pltpu.VMEM((SLAB,), jnp.int32),
          pltpu.VMEM_SHARED((ACC_LEN,), jnp.float32),
          pltpu.SemaphoreType.DMA,
          pltpu.SemaphoreType.DMA,
      ],
  )
  def sc_kernel(vals_hbm, idx_hbm, zeros_hbm, out_hbm, val0, val1, idx0,
                idx1, acc, sem0, sem1):
    cid = lax.axis_index("c")
    sid = lax.axis_index("s")
    wid = sid * NUM_SC + cid
    bufs = ((val0, idx0, sem0), (val1, idx1, sem1))

    def issue(b, c):
      vv, iv, sem = bufs[b]
      pltpu.async_copy(vals_hbm.at[pl.ds(c * SLAB, SLAB)], vv, sem)
      pltpu.async_copy(idx_hbm.at[pl.ds(c * SLAB, SLAB)], iv, sem)

    def wait_and_scatter(b, c):
      vv, iv, sem = bufs[b]
      pltpu.make_async_copy(vals_hbm.at[pl.ds(c * SLAB, SLAB)], vv, sem).wait()
      pltpu.make_async_copy(idx_hbm.at[pl.ds(c * SLAB, SLAB)], iv, sem).wait()
      pltpu.sync_copy(vv, acc.at[iv], add=True)

    z0 = sid * ZSLICE
    pltpu.sync_copy(zeros_hbm.at[pl.ds(z0, ZSLICE)], acc.at[pl.ds(z0, ZSLICE)])
    plsc.subcore_barrier()

    issue(0, wid)
    issue(1, wid + NUM_WORKERS)

    @pl.loop(0, SLABS_PER_W, step=2)
    def _(i):
      for b in range(2):
        c = wid + (i + b) * NUM_WORKERS
        wait_and_scatter(b, c)

        @pl.when(i + b + 2 < SLABS_PER_W)
        def _():
          issue(b, c + 2 * NUM_WORKERS)

    plsc.subcore_barrier()
    pltpu.sync_copy(acc.at[pl.ds(z0, ZSLICE)],
                    out_hbm.at[pl.ds(cid * ACC_LEN + z0, ZSLICE)])

  return sc_kernel(vals1, oidx2, zeros1)


ROW_BLOCK = 4096
PACK_ROWS = ROW_BLOCK * DE // 128


def _tc_dense_kernel(p_ref, nrep_ref, x_ref, w0h_ref, w0a_ref, b0_ref,
                     w1h_ref, w1a_ref, b1_ref, g0_ref, bt0_ref, g1_ref,
                     bt1_ref, out_ref):
  ap = (p_ref[0] + p_ref[1]) * nrep_ref[...]

  def an_dot(wexp):
    t = jnp.dot(ap, wexp, preferred_element_type=jnp.float32)
    return t.reshape(PACK_ROWS, 8, OUT).reshape(ROW_BLOCK, OUT)

  h = x_ref[...]
  for wh, wa, b, g, bt in ((w0h_ref, w0a_ref, b0_ref, g0_ref, bt0_ref),
                           (w1h_ref, w1a_ref, b1_ref, g1_ref, bt1_ref)):
    t = (jnp.dot(h, wh[...], preferred_element_type=jnp.float32)
         + an_dot(wa[...]) + b[...])
    mean = jnp.mean(t, axis=-1, keepdims=True)
    var = jnp.mean((t - mean) ** 2, axis=-1, keepdims=True)
    t = (t - mean) / jnp.sqrt(var + 1e-5) * g[...] + bt[...]
    h = jnp.maximum(t, 0.0)
  out_ref[...] = h


def _tc_dense(partials, nrep, x, W0h, W0a, b0, W1h, W1a, b1, g0, bt0, g1,
              bt1):
  nblk = -(-N // ROW_BLOCK)
  full = lambda *shape: pl.BlockSpec(shape, lambda i: (0,) * len(shape))
  return pl.pallas_call(
      _tc_dense_kernel,
      grid=(nblk,),
      in_specs=[
          pl.BlockSpec((NUM_SC, PACK_ROWS, 128), lambda i: (0, i, 0)),
          pl.BlockSpec((PACK_ROWS, 128), lambda i: (i, 0)),
          pl.BlockSpec((ROW_BLOCK, D), lambda i: (i, 0)),
          full(D, OUT), full(D, 8 * OUT), full(1, OUT),
          full(D, OUT), full(D, 8 * OUT), full(1, OUT),
          full(1, OUT), full(1, OUT), full(1, OUT), full(1, OUT),
      ],
      out_specs=pl.BlockSpec((ROW_BLOCK, OUT), lambda i: (i, 0)),
      out_shape=jax.ShapeDtypeStruct((N, OUT), jnp.float32),
  )(partials, nrep, x, W0h, W0a, b0, W1h, W1a, b1, g0, bt0, g1, bt1)


@jax.jit
def kernel(x, edge_attr, norm, W0, b0, gamma0, beta0, W1, b1, gamma1, beta1,
           edge_index):
  vals1 = (edge_attr.T.reshape(2, 8, EC, 128)
           .transpose(0, 2, 1, 3).reshape(TOTAL_ELEMS))
  dst = edge_index[1].reshape(EC, 128)
  oidx = (dst[None, :, None, :] * DE
          + 8 * jnp.arange(2, dtype=jnp.int32)[:, None, None, None]
          + jnp.arange(8, dtype=jnp.int32)[None, None, :, None])
  oidx2 = oidx.reshape(TOTAL_ELEMS)
  zeros1 = jnp.zeros((ACC_LEN,), jnp.float32)

  partials = _sc_segment_sum(vals1, oidx2, zeros1)
  packed = partials.reshape(NUM_SC, ACC_LEN // 128, 128)

  nrep = jnp.repeat(norm.reshape(N), DE).reshape(N * DE // 128, 128)

  r2 = lambda v: v.reshape(1, OUT)

  eye8 = jnp.eye(8, dtype=jnp.float32)
  wexp = lambda wa: (jnp.einsum("gh,fo->gfho", eye8, wa)
                     .reshape(D, 8 * OUT))

  return _tc_dense(packed, nrep, x,
                   W0[:D], wexp(W0[D:]), r2(b0), W1[:D], wexp(W1[D:]), r2(b1),
                   r2(gamma0), r2(beta0), r2(gamma1), r2(beta1))

# --- scband reference (transcript-rebuilt; emitter-appended) ---
"""Pipeline reference for scband-class-contrastive-model-32753420599857 (READ-ONLY COPY).

The authoritative reference and input builder live on the scoring server;
editing this copy changes nothing except your own understanding.
"""

import jax, jax.numpy as jnp
import numpy as np

N = 100000
E = 3200000
D = 128
DE = 16
OUT = 128
IN_FEATS = D + DE  # 144


def _layer_norm(h, gamma, beta, eps=1e-5):
    mean = jnp.mean(h, axis=-1, keepdims=True)
    var = jnp.mean((h - mean) ** 2, axis=-1, keepdims=True)
    return (h - mean) / jnp.sqrt(var + eps) * gamma + beta


def setup_inputs(seed: int = 0) -> dict:
    key = jax.random.key(seed)
    ks = jax.random.split(key, 16)
    x = jax.random.normal(ks[0], (N, D), dtype=jnp.float32)
    edge_index = jax.random.randint(ks[1], (2, E), 0, N, dtype=jnp.int32)
    edge_attr = jax.random.normal(ks[2], (E, DE), dtype=jnp.float32)
    norm = jax.random.uniform(ks[3], (N, 1), dtype=jnp.float32)
    stdv = 1.0 / np.sqrt(IN_FEATS)
    W0 = jax.random.uniform(ks[4], (IN_FEATS, OUT), minval=-stdv, maxval=stdv, dtype=jnp.float32)
    b0 = jax.random.uniform(ks[5], (OUT,), minval=-stdv, maxval=stdv, dtype=jnp.float32)
    gamma0 = jnp.ones((OUT,), dtype=jnp.float32)
    beta0 = jnp.zeros((OUT,), dtype=jnp.float32)
    W1 = jax.random.uniform(ks[6], (IN_FEATS, OUT), minval=-stdv, maxval=stdv, dtype=jnp.float32)
    b1 = jax.random.uniform(ks[7], (OUT,), minval=-stdv, maxval=stdv, dtype=jnp.float32)
    gamma1 = jnp.ones((OUT,), dtype=jnp.float32)
    beta1 = jnp.zeros((OUT,), dtype=jnp.float32)
    return {"x": x, "edge_attr": edge_attr, "norm": norm,
            "W0": W0, "b0": b0, "gamma0": gamma0, "beta0": beta0,
            "W1": W1, "b1": b1, "gamma1": gamma1, "beta1": beta1,
            "edge_index": edge_index}


def reference(x, edge_attr, norm, W0, b0, gamma0, beta0, W1, b1, gamma1, beta1, edge_index):
    # DGL: g.send_and_recv(g.edges(), fn.copy_e('m','h'), fn.sum('h','sum_h'))
    # -> scatter-add of edge features 'm' onto destination nodes
    dst = edge_index[1]
    ah = jax.ops.segment_sum(edge_attr, dst, num_segments=x.shape[0])
    h = x
    for (W, b, gm, bt) in ((W0, b0, gamma0, beta0), (W1, b1, gamma1, beta1)):
        hc = jnp.concatenate([h, ah * norm], axis=1)  # concat(h, ah*norm)
        h = hc @ W + b                                # linear
        h = _layer_norm(h, gm, bt)                    # layer norm
        h = jax.nn.relu(h)                            # activation
    # dropout is identity in eval mode
    return h

if __name__ == "__main__":
    import jax
    _d = setup_inputs()
    print(jax.jit(kernel)(*tuple(_d.values())))

</pallas_src>

<mosaic_0001>
#map = affine_map<(d0, d1) -> (0)>
module attributes {stable_mosaic.version = 14 : i64} {
  func.func @sc_kernel(%arg0: i32, %arg1: i32, %arg2: memref<51200000xf32, #tpu.memory_space<hbm>>, %arg3: memref<51200000xi32, #tpu.memory_space<hbm>>, %arg4: memref<1601536xf32, #tpu.memory_space<hbm>>, %arg5: memref<3203072xf32, #tpu.memory_space<hbm>>, %arg6: memref<6400xf32, #tpu.memory_space<vmem>>, %arg7: memref<6400xf32, #tpu.memory_space<vmem>>, %arg8: memref<6400xi32, #tpu.memory_space<vmem>>, %arg9: memref<6400xi32, #tpu.memory_space<vmem>>, %arg10: memref<1601536xf32, #tpu.memory_space<vmem_shared>>, %arg11: memref<!tpu.dma_semaphore, #tpu.memory_space<semaphore_mem>>, %arg12: memref<!tpu.dma_semaphore, #tpu.memory_space<semaphore_mem>>) attributes {dimension_semantics = [#tpu.dimension_semantics<core_parallel>, #tpu.dimension_semantics<subcore_parallel>], iteration_bounds = array<i64: 2, 16>, scalar_prefetch = 0 : i64, scratch_operands = 7 : i64, tpu.core_type = #tpu.core_type<sc_vector_subcore>, window_params = [{transform_indices = #map}, {transform_indices = #map}, {transform_indices = #map}, {transform_indices = #map}]} {
    %mul3A = arith.constant 2 : i32
    %mul3A_0 = arith.muli %arg1, %mul3A : i32
    %add3A = arith.addi %mul3A_0, %arg0 : i32
    %mul3A_1 = arith.constant 100096 : i32
    %mul3A_2 = arith.muli %arg1, %mul3A_1 : i32
    "tpu.region"() ({
      %run_scoped3A = tpu.sem_alloc : memref<!tpu.dma_semaphore, #tpu.memory_space<semaphore_mem>>
      %dma_start3A_28 = tpu.memref_slice %arg10[%mul3A_2] : memref<1601536xf32, #tpu.memory_space<vmem_shared>> -> memref<100096xf32, #tpu.memory_space<vmem_shared>>
      %dma_start3A_29 = tpu.memref_slice %arg4[%mul3A_2] : memref<1601536xf32, #tpu.memory_space<hbm>> -> memref<100096xf32, #tpu.memory_space<hbm>>
      tpu.enqueue_dma source(%dma_start3A_29 : memref<100096xf32, #tpu.memory_space<hbm>>) target(%dma_start3A_28 : memref<100096xf32, #tpu.memory_space<vmem_shared>>) target_semaphore(%run_scoped3A : memref<!tpu.dma_semaphore, #tpu.memory_space<semaphore_mem>>)
      %dma_wait3A = tpu.memref_slice %arg10[%mul3A_2] : memref<1601536xf32, #tpu.memory_space<vmem_shared>> -> memref<100096xf32, #tpu.memory_space<vmem_shared>>
      %dma_wait3A_30 = tpu.memref_slice %arg4[%mul3A_2] : memref<1601536xf32, #tpu.memory_space<hbm>> -> memref<100096xf32, #tpu.memory_space<hbm>>
      tpu.wait_dma2 semaphore(%run_scoped3A : memref<!tpu.dma_semaphore, #tpu.memory_space<semaphore_mem>>) src(%dma_wait3A_30 : memref<100096xf32, #tpu.memory_space<hbm>>) dst(%dma_wait3A : memref<100096xf32, #tpu.memory_space<vmem_shared>>)
      tpu.yield
    }) : () -> ()
    %barrier3A = arith.constant 0 : index
    tpu.barrier barrier_id(%barrier3A)
    %mul3A_3 = arith.constant 6400 : i32
    %mul3A_4 = arith.muli %add3A, %mul3A_3 : i32
    %dma_start3A = tpu.memref_slice %arg2[%mul3A_4] : memref<51200000xf32, #tpu.memory_space<hbm>> -> memref<6400xf32, #tpu.memory_space<hbm>>
    %dma_start3A_5 = tpu.memref_slice %arg2[%mul3A_4] : memref<51200000xf32, #tpu.memory_space<hbm>> -> memref<6400xf32, #tpu.memory_space<hbm>>
    tpu.enqueue_dma source(%dma_start3A_5 : memref<6400xf32, #tpu.memory_space<hbm>>) target(%arg6 : memref<6400xf32, #tpu.memory_space<vmem>>) target_semaphore(%arg11 : memref<!tpu.dma_semaphore, #tpu.memory_space<semaphore_mem>>)
    %mul3A_6 = arith.constant 6400 : i32
    %mul3A_7 = arith.muli %add3A, %mul3A_6 : i32
    %dma_start3A_8 = tpu.memref_slice %arg3[%mul3A_7] : memref<51200000xi32, #tpu.memory_space<hbm>> -> memref<6400xi32, #tpu.memory_space<hbm>>
    %dma_start3A_9 = tpu.memref_slice %arg3[%mul3A_7] : memref<51200000xi32, #tpu.memory_space<hbm>> -> memref<6400xi32, #tpu.memory_space<hbm>>
    tpu.enqueue_dma source(%dma_start3A_9 : memref<6400xi32, #tpu.memory_space<hbm>>) target(%arg8 : memref<6400xi32, #tpu.memory_space<vmem>>) target_semaphore(%arg11 : memref<!tpu.dma_semaphore, #tpu.memory_space<semaphore_mem>>)
    %add3A_10 = arith.constant 32 : i32
    %add3A_11 = arith.addi %add3A, %add3A_10 : i32
    %mul3A_12 = arith.constant 6400 : i32
    %mul3A_13 = arith.muli %add3A_11, %mul3A_12 : i32
    %dma_start3A_14 = tpu.memref_slice %arg2[%mul3A_13] : memref<51200000xf32, #tpu.memory_space<hbm>> -> memref<6400xf32, #tpu.memory_space<hbm>>
    %dma_start3A_15 = tpu.memref_slice %arg2[%mul3A_13] : memref<51200000xf32, #tpu.memory_space<hbm>> -> memref<6400xf32, #tpu.memory_space<hbm>>
    tpu.enqueue_dma source(%dma_start3A_15 : memref<6400xf32, #tpu.memory_space<hbm>>) target(%arg7 : memref<6400xf32, #tpu.memory_space<vmem>>) target_semaphore(%arg12 : memref<!tpu.dma_semaphore, #tpu.memory_space<semaphore_mem>>)
    %mul3A_16 = arith.constant 6400 : i32
    %mul3A_17 = arith.muli %add3A_11, %mul3A_16 : i32
    %dma_start3A_18 = tpu.memref_slice %arg3[%mul3A_17] : memref<51200000xi32, #tpu.memory_space<hbm>> -> memref<6400xi32, #tpu.memory_space<hbm>>
    %dma_start3A_19 = tpu.memref_slice %arg3[%mul3A_17] : memref<51200000xi32, #tpu.memory_space<hbm>> -> memref<6400xi32, #tpu.memory_space<hbm>>
    tpu.enqueue_dma source(%dma_start3A_19 : memref<6400xi32, #tpu.memory_space<hbm>>) target(%arg9 : memref<6400xi32, #tpu.memory_space<vmem>>) target_semaphore(%arg12 : memref<!tpu.dma_semaphore, #tpu.memory_space<semaphore_mem>>)
    %scan3A = arith.constant 0 : i32
    %scan3A_20 = arith.constant 125 : i32
    %scan3A_21 = arith.addi %scan3A, %scan3A_20 : i32
    %scan3A_22 = arith.constant 1 : i32
    scf.for %scan3A_28 = %scan3A to %scan3A_21 step %scan3A_22  : i32 {
      %mul3A_29 = arith.constant 2 : i32
      %mul3A_30 = arith.muli %scan3A_28, %mul3A_29 : i32
      %add3A_31 = arith.constant 0 : i32
      %add3A_32 = arith.addi %add3A_31, %mul3A_30 : i32
      %add3A_33 = arith.constant 0 : i32
      %add3A_34 = arith.addi %add3A_32, %add3A_33 : i32
      %mul3A_35 = arith.constant 32 : i32
      %mul3A_36 = arith.muli %add3A_34, %mul3A_35 : i32
      %add3A_37 = arith.addi %add3A, %mul3A_36 : i32
      %mul3A_38 = arith.constant 6400 : i32
      %mul3A_39 = arith.muli %add3A_37, %mul3A_38 : i32
      %dma_wait3A = tpu.memref_slice %arg2[%mul3A_39] : memref<51200000xf32, #tpu.memory_space<hbm>> -> memref<6400xf32, #tpu.memory_space<hbm>>
      %dma_wait3A_40 = tpu.memref_slice %arg2[%mul3A_39] : memref<51200000xf32, #tpu.memory_space<hbm>> -> memref<6400xf32, #tpu.memory_space<hbm>>
      tpu.wait_dma2 semaphore(%arg11 : memref<!tpu.dma_semaphore, #tpu.memory_space<semaphore_mem>>) src(%dma_wait3A_40 : memref<6400xf32, #tpu.memory_space<hbm>>) dst(%arg6 : memref<6400xf32, #tpu.memory_space<vmem>>)
      %mul3A_41 = arith.constant 6400 : i32
      %mul3A_42 = arith.muli %add3A_37, %mul3A_41 : i32
      %dma_wait3A_43 = tpu.memref_slice %arg3[%mul3A_42] : memref<51200000xi32, #tpu.memory_space<hbm>> -> memref<6400xi32, #tpu.memory_space<hbm>>
      %dma_wait3A_44 = tpu.memref_slice %arg3[%mul3A_42] : memref<51200000xi32, #tpu.memory_space<hbm>> -> memref<6400xi32, #tpu.memory_space<hbm>>
      tpu.wait_dma2 semaphore(%arg11 : memref<!tpu.dma_semaphore, #tpu.memory_space<semaphore_mem>>) src(%dma_wait3A_44 : memref<6400xi32, #tpu.memory_space<hbm>>) dst(%arg8 : memref<6400xi32, #tpu.memory_space<vmem>>)
      "tpu.region"() ({
        %run_scoped3A = tpu.sem_alloc : memref<!tpu.dma_semaphore, #tpu.memory_space<semaphore_mem>>
        %dma_start3A_73 = arith.constant 0 : i32
        %dma_start3A_74 = tpu.memref_slice %arg10[%dma_start3A_73] : memref<1601536xf32, #tpu.memory_space<vmem_shared>> -> memref<1601536xf32, #tpu.memory_space<vmem_shared>>
        tpu.enqueue_indirect_dma source(%arg6 : memref<6400xf32, #tpu.memory_space<vmem>>) target(%dma_start3A_74 : memref<1601536xf32, #tpu.memory_space<vmem_shared>>) offsets(%arg8 : memref<6400xi32, #tpu.memory_space<vmem>>) semaphore(%run_scoped3A : memref<!tpu.dma_semaphore, #tpu.memory_space<semaphore_mem>>) {add = true}
        %dma_wait3A_75 = arith.constant 0 : i32
        %dma_wait3A_76 = tpu.memref_slice %arg10[%dma_wait3A_75] : memref<1601536xf32, #tpu.memory_space<vmem_shared>> -> memref<1601536xf32, #tpu.memory_space<vmem_shared>>
        tpu.wait_indirect_dma semaphore(%run_scoped3A : memref<!tpu.dma_semaphore, #tpu.memory_space<semaphore_mem>>) src(%arg6 : memref<6400xf32, #tpu.memory_space<vmem>>) dst(%dma_wait3A_76 : memref<1601536xf32, #tpu.memory_space<vmem_shared>>)
        tpu.yield
      }) : () -> ()
      %add3A_45 = arith.constant 0 : i32
      %add3A_46 = arith.addi %add3A_32, %add3A_45 : i32
      %add3A_47 = arith.constant 2 : i32
      %add3A_48 = arith.addi %add3A_46, %add3A_47 : i32
      %lt3A = arith.constant 250 : i32
      %lt3A_49 = arith.cmpi slt, %add3A_48, %lt3A : i32
      %convert_element_type3A = arith.extui %lt3A_49 : i1 to i32
      %cond3A = arith.constant 0 : i32
      %cond3A_50 = arith.cmpi ne, %convert_element_type3A, %cond3A : i32
      scf.if %cond3A_50 {
        %add3A_73 = arith.constant 64 : i32
        %add3A_74 = arith.addi %add3A_37, %add3A_73 : i32
        %mul3A_75 = arith.constant 6400 : i32
        %mul3A_76 = arith.muli %add3A_74, %mul3A_75 : i32
        %dma_start3A_77 = tpu.memref_slice %arg2[%mul3A_76] : memref<51200000xf32, #tpu.memory_space<hbm>> -> memref<6400xf32, #tpu.memory_space<hbm>>
        %dma_start3A_78 = tpu.memref_slice %arg2[%mul3A_76] : memref<51200000xf32, #tpu.memory_space<hbm>> -> memref<6400xf32, #tpu.memory_space<hbm>>
        tpu.enqueue_dma source(%dma_start3A_78 : memref<6400xf32, #tpu.memory_space<hbm>>) target(%arg6 : memref<6400xf32, #tpu.memory_space<vmem>>) target_semaphore(%arg11 : memref<!tpu.dma_semaphore, #tpu.memory_space<semaphore_mem>>)
        %mul3A_79 = arith.constant 6400 : i32
        %mul3A_80 = arith.muli %add3A_74, %mul3A_79 : i32
        %dma_start3A_81 = tpu.memref_slice %arg3[%mul3A_80] : memref<51200000xi32, #tpu.memory_space<hbm>> -> memref<6400xi32, #tpu.memory_space<hbm>>
        %dma_start3A_82 = tpu.memref_slice %arg3[%mul3A_80] : memref<51200000xi32, #tpu.memory_space<hbm>> -> memref<6400xi32, #tpu.memory_space<hbm>>
        tpu.enqueue_dma source(%dma_start3A_82 : memref<6400xi32, #tpu.memory_space<hbm>>) target(%arg8 : memref<6400xi32, #tpu.memory_space<vmem>>) target_semaphore(%arg11 : memref<!tpu.dma_semaphore, #tpu.memory_space<semaphore_mem>>)
      } else {
      }
      %add3A_51 = arith.constant 1 : i32
      %add3A_52 = arith.addi %add3A_32, %add3A_51 : i32
      %mul3A_53 = arith.constant 32 : i32
      %mul3A_54 = arith.muli %add3A_52, %mul3A_53 : i32
      %add3A_55 = arith.addi %add3A, %mul3A_54 : i32
      %mul3A_56 = arith.constant 6400 : i32
      %mul3A_57 = arith.muli %add3A_55, %mul3A_56 : i32
      %dma_wait3A_58 = tpu.memref_slice %arg2[%mul3A_57] : memref<51200000xf32, #tpu.memory_space<hbm>> -> memref<6400xf32, #tpu.memory_space<hbm>>
      %dma_wait3A_59 = tpu.memref_slice %arg2[%mul3A_57] : memref<51200000xf32, #tpu.memory_space<hbm>> -> memref<6400xf32, #tpu.memory_space<hbm>>
      tpu.wait_dma2 semaphore(%arg12 : memref<!tpu.dma_semaphore, #tpu.memory_space<semaphore_mem>>) src(%dma_wait3A_59 : memref<6400xf32, #tpu.memory_space<hbm>>) dst(%arg7 : memref<6400xf32, #tpu.memory_space<vmem>>)
      %mul3A_60 = arith.constant 6400 : i32
      %mul3A_61 = arith.muli %add3A_55, %mul3A_60 : i32
      %dma_wait3A_62 = tpu.memref_slice %arg3[%mul3A_61] : memref<51200000xi32, #tpu.memory_space<hbm>> -> memref<6400xi32, #tpu.memory_space<hbm>>
      %dma_wait3A_63 = tpu.memref_slice %arg3[%mul3A_61] : memref<51200000xi32, #tpu.memory_space<hbm>> -> memref<6400xi32, #tpu.memory_space<hbm>>
      tpu.wait_dma2 semaphore(%arg12 : memref<!tpu.dma_semaphore, #tpu.memory_space<semaphore_mem>>) src(%dma_wait3A_63 : memref<6400xi32, #tpu.memory_space<hbm>>) dst(%arg9 : memref<6400xi32, #tpu.memory_space<vmem>>)
      "tpu.region"() ({
        %run_scoped3A = tpu.sem_alloc : memref<!tpu.dma_semaphore, #tpu.memory_space<semaphore_mem>>
        %dma_start3A_73 = arith.constant 0 : i32
        %dma_start3A_74 = tpu.memref_slice %arg10[%dma_start3A_73] : memref<1601536xf32, #tpu.memory_space<vmem_shared>> -> memref<1601536xf32, #tpu.memory_space<vmem_shared>>
        tpu.enqueue_indirect_dma source(%arg7 : memref<6400xf32, #tpu.memory_space<vmem>>) target(%dma_start3A_74 : memref<1601536xf32, #tpu.memory_space<vmem_shared>>) offsets(%arg9 : memref<6400xi32, #tpu.memory_space<vmem>>) semaphore(%run_scoped3A : memref<!tpu.dma_semaphore, #tpu.memory_space<semaphore_mem>>) {add = true}
        %dma_wait3A_75 = arith.constant 0 : i32
        %dma_wait3A_76 = tpu.memref_slice %arg10[%dma_wait3A_75] : memref<1601536xf32, #tpu.memory_space<vmem_shared>> -> memref<1601536xf32, #tpu.memory_space<vmem_shared>>
        tpu.wait_indirect_dma semaphore(%run_scoped3A : memref<!tpu.dma_semaphore, #tpu.memory_space<semaphore_mem>>) src(%arg7 : memref<6400xf32, #tpu.memory_space<vmem>>) dst(%dma_wait3A_76 : memref<1601536xf32, #tpu.memory_space<vmem_shared>>)
        tpu.yield
      }) : () -> ()
      %add3A_64 = arith.constant 1 : i32
      %add3A_65 = arith.addi %add3A_32, %add3A_64 : i32
      %add3A_66 = arith.constant 2 : i32
      %add3A_67 = arith.addi %add3A_65, %add3A_66 : i32
      %lt3A_68 = arith.constant 250 : i32
      %lt3A_69 = arith.cmpi slt, %add3A_67, %lt3A_68 : i32
      %convert_element_type3A_70 = arith.extui %lt3A_69 : i1 to i32
      %cond3A_71 = arith.constant 0 : i32
      %cond3A_72 = arith.cmpi ne, %convert_element_type3A_70, %cond3A_71 : i32
      scf.if %cond3A_72 {
        %add3A_73 = arith.constant 64 : i32
        %add3A_74 = arith.addi %add3A_55, %add3A_73 : i32
        %mul3A_75 = arith.constant 6400 : i32
        %mul3A_76 = arith.muli %add3A_74, %mul3A_75 : i32
        %dma_start3A_77 = tpu.memref_slice %arg2[%mul3A_76] : memref<51200000xf32, #tpu.memory_space<hbm>> -> memref<6400xf32, #tpu.memory_space<hbm>>
        %dma_start3A_78 = tpu.memref_slice %arg2[%mul3A_76] : memref<51200000xf32, #tpu.memory_space<hbm>> -> memref<6400xf32, #tpu.memory_space<hbm>>
        tpu.enqueue_dma source(%dma_start3A_78 : memref<6400xf32, #tpu.memory_space<hbm>>) target(%arg7 : memref<6400xf32, #tpu.memory_space<vmem>>) target_semaphore(%arg12 : memref<!tpu.dma_semaphore, #tpu.memory_space<semaphore_mem>>)
        %mul3A_79 = arith.constant 6400 : i32
        %mul3A_80 = arith.muli %add3A_74, %mul3A_79 : i32
        %dma_start3A_81 = tpu.memref_slice %arg3[%mul3A_80] : memref<51200000xi32, #tpu.memory_space<hbm>> -> memref<6400xi32, #tpu.memory_space<hbm>>
        %dma_start3A_82 = tpu.memref_slice %arg3[%mul3A_80] : memref<51200000xi32, #tpu.memory_space<hbm>> -> memref<6400xi32, #tpu.memory_space<hbm>>
        tpu.enqueue_dma source(%dma_start3A_82 : memref<6400xi32, #tpu.memory_space<hbm>>) target(%arg9 : memref<6400xi32, #tpu.memory_space<vmem>>) target_semaphore(%arg12 : memref<!tpu.dma_semaphore, #tpu.memory_space<semaphore_mem>>)
      } else {
      }
    }
    %scan3A_23 = arith.constant 125 : i32
    %barrier3A_24 = arith.constant 0 : index
    tpu.barrier barrier_id(%barrier3A_24)
    %mul3A_25 = arith.constant 1601536 : i32
    %mul3A_26 = arith.muli %arg0, %mul3A_25 : i32
    %add3A_27 = arith.addi %mul3A_26, %mul3A_2 : i32
    "tpu.region"() ({
      %run_scoped3A = tpu.sem_alloc : memref<!tpu.dma_semaphore, #tpu.memory_space<semaphore_mem>>
      %dma_start3A_28 = tpu.memref_slice %arg5[%add3A_27] : memref<3203072xf32, #tpu.memory_space<hbm>> -> memref<100096xf32, #tpu.memory_space<hbm>>
      %dma_start3A_29 = tpu.memref_slice %arg10[%mul3A_2] : memref<1601536xf32, #tpu.memory_space<vmem_shared>> -> memref<100096xf32, #tpu.memory_space<vmem_shared>>
      tpu.enqueue_dma source(%dma_start3A_29 : memref<100096xf32, #tpu.memory_space<vmem_shared>>) target(%dma_start3A_28 : memref<100096xf32, #tpu.memory_space<hbm>>) target_semaphore(%run_scoped3A : memref<!tpu.dma_semaphore, #tpu.memory_space<semaphore_mem>>)
      %dma_wait3A = tpu.memref_slice %arg5[%add3A_27] : memref<3203072xf32, #tpu.memory_space<hbm>> -> memref<100096xf32, #tpu.memory_space<hbm>>
      %dma_wait3A_30 = tpu.memref_slice %arg10[%mul3A_2] : memref<1601536xf32, #tpu.memory_space<vmem_shared>> -> memref<100096xf32, #tpu.memory_space<vmem_shared>>
      tpu.wait_dma2 semaphore(%run_scoped3A : memref<!tpu.dma_semaphore, #tpu.memory_space<semaphore_mem>>) src(%dma_wait3A_30 : memref<100096xf32, #tpu.memory_space<vmem_shared>>) dst(%dma_wait3A : memref<100096xf32, #tpu.memory_space<hbm>>)
      tpu.yield
    }) : () -> ()
    return
  }
}

module attributes {stable_mosaic.version = 14 : i64} {
  func.func @_tc_dense_kernel(%arg0: i32, %arg1: memref<2x512x128xf32, #tpu.memory_space<vmem>>, %arg2: memref<512x128xf32, #tpu.memory_space<vmem>>, %arg3: memref<4096x128xf32, #tpu.memory_space<vmem>>, %arg4: memref<128x128xf32, #tpu.memory_space<vmem>>, %arg5: memref<128x1024xf32, #tpu.memory_space<vmem>>, %arg6: memref<1x128xf32, #tpu.memory_space<vmem>>, %arg7: memref<128x128xf32, #tpu.memory_space<vmem>>, %arg8: memref<128x1024xf32, #tpu.memory_space<vmem>>, %arg9: memref<1x128xf32, #tpu.memory_space<vmem>>, %arg10: memref<1x128xf32, #tpu.memory_space<vmem>>, %arg11: memref<1x128xf32, #tpu.memory_space<vmem>>, %arg12: memref<1x128xf32, #tpu.memory_space<vmem>>, %arg13: memref<1x128xf32, #tpu.memory_space<vmem>>, %arg14: memref<4096x128xf32, #tpu.memory_space<vmem>>) attributes {dimension_semantics = [#tpu.dimension_semantics<arbitrary>], iteration_bounds = array<i64: 25>, scalar_prefetch = 0 : i64, scratch_operands = 0 : i64, tpu.core_type = #tpu.core_type<tc>, window_params = [{transform_indices = @transform_0, window_bounds = array<i64: 2, 512, 128>}, {transform_indices = @transform_1, window_bounds = array<i64: 512, 128>}, {transform_indices = @transform_2, window_bounds = array<i64: 4096, 128>}, {pipeline_mode = #tpu.pipeline_mode<synchronous>, transform_indices = @transform_3, window_bounds = array<i64: 128, 128>}, {pipeline_mode = #tpu.pipeline_mode<synchronous>, transform_indices = @transform_4, window_bounds = array<i64: 128, 1024>}, {pipeline_mode = #tpu.pipeline_mode<synchronous>, transform_indices = @transform_5, window_bounds = array<i64: 1, 128>}, {pipeline_mode = #tpu.pipeline_mode<synchronous>, transform_indices = @transform_6, window_bounds = array<i64: 128, 128>}, {pipeline_mode = #tpu.pipeline_mode<synchronous>, transform_indices = @transform_7, window_bounds = array<i64: 128, 1024>}, {pipeline_mode = #tpu.pipeline_mode<synchronous>, transform_indices = @transform_8, window_bounds = array<i64: 1, 128>}, {pipeline_mode = #tpu.pipeline_mode<synchronous>, transform_indices = @transform_9, window_bounds = array<i64: 1, 128>}, {pipeline_mode = #tpu.pipeline_mode<synchronous>, transform_indices = @transform_10, window_bounds = array<i64: 1, 128>}, {pipeline_mode = #tpu.pipeline_mode<synchronous>, transform_indices = @transform_11, window_bounds = array<i64: 1, 128>}, {pipeline_mode = #tpu.pipeline_mode<synchronous>, transform_indices = @transform_12, window_bounds = array<i64: 1, 128>}, {transform_indices = @transform_13, window_bounds = array<i64: 4096, 128>}]} {
    %get3A = arith.constant 0 : index
    %get3A_0 = arith.constant 0 : index
    %get3A_1 = arith.constant 0 : index
    %get3A_2 = vector.load %arg1[%get3A, %get3A_0, %get3A_1] : memref<2x512x128xf32, #tpu.memory_space<vmem>>, vector<1x512x128xf32>
    %get3A_3 = vector.shape_cast %get3A_2 : vector<1x512x128xf32> to vector<512x128xf32>
    %get3A_4 = arith.constant 1 : index
    %get3A_5 = arith.constant 0 : index
    %get3A_6 = arith.constant 0 : index
    %get3A_7 = vector.load %arg1[%get3A_4, %get3A_5, %get3A_6] : memref<2x512x128xf32, #tpu.memory_space<vmem>>, vector<1x512x128xf32>
    %get3A_8 = vector.shape_cast %get3A_7 : vector<1x512x128xf32> to vector<512x128xf32>
    %add3A = arith.addf %get3A_3, %get3A_8 : vector<512x128xf32>
    %get3A_9 = arith.constant 0 : index
    %get3A_10 = arith.constant 0 : index
    %get3A_11 = vector.load %arg2[%get3A_9, %get3A_10] : memref<512x128xf32, #tpu.memory_space<vmem>>, vector<512x128xf32>
    %mul3A = arith.mulf %add3A, %get3A_11 : vector<512x128xf32>
    %get3A_12 = arith.constant 0 : index
    %get3A_13 = arith.constant 0 : index
    %get3A_14 = vector.load %arg3[%get3A_12, %get3A_13] : memref<4096x128xf32, #tpu.memory_space<vmem>>, vector<4096x128xf32>
    %get3A_15 = arith.constant 0 : index
    %get3A_16 = arith.constant 0 : index
    %get3A_17 = vector.load %arg4[%get3A_15, %get3A_16] : memref<128x128xf32, #tpu.memory_space<vmem>>, vector<128x128xf32>
    %dot_general3A = arith.constant dense<0.000000e+00> : vector<4096x128xf32>
    %dot_general3A_18 = tpu.matmul %get3A_14, %get3A_17, %dot_general3A {dimension_numbers = #tpu.dot_dimension_numbers<[1], [0], [0], [1], [0, 0, 1, 1], [], []>, transpose_lhs_hint = false} : vector<4096x128xf32>, vector<128x128xf32>, vector<4096x128xf32> -> vector<4096x128xf32>
    %get3A_19 = arith.constant 0 : index
    %get3A_20 = arith.constant 0 : index
    %get3A_21 = vector.load %arg5[%get3A_19, %get3A_20] : memref<128x1024xf32, #tpu.memory_space<vmem>>, vector<128x1024xf32>
    %dot_general3A_22 = arith.constant dense<0.000000e+00> : vector<512x1024xf32>
    %dot_general3A_23 = tpu.matmul %mul3A, %get3A_21, %dot_general3A_22 {dimension_numbers = #tpu.dot_dimension_numbers<[1], [0], [0], [1], [0, 0, 1, 1], [], []>, transpose_lhs_hint = false} : vector<512x128xf32>, vector<128x1024xf32>, vector<512x1024xf32> -> vector<512x1024xf32>
    %reshape3A = vector.shape_cast %dot_general3A_23 : vector<512x1024xf32> to vector<512x8x128xf32>
    %reshape3A_24 = vector.shape_cast %reshape3A : vector<512x8x128xf32> to vector<4096x128xf32>
    %add3A_25 = arith.addf %dot_general3A_18, %reshape3A_24 : vector<4096x128xf32>
    %get3A_26 = arith.constant 0 : index
    %get3A_27 = arith.constant 0 : index
    %get3A_28 = vector.load %arg6[%get3A_26, %get3A_27] : memref<1x128xf32, #tpu.memory_space<vmem>>, vector<1x128xf32>
    %add3A_29 = vector.broadcast %get3A_28 : vector<1x128xf32> to vector<4096x128xf32>
    %add3A_30 = arith.addf %add3A_25, %add3A_29 : vector<4096x128xf32>
    %reduce_sum3A = arith.constant dense<0.000000e+00> : vector<4096xf32>
    %reduce_sum3A_31 = vector.multi_reduction <add>, %add3A_30, %reduce_sum3A [1] : vector<4096x128xf32> to vector<4096xf32>
    %broadcast_in_dim3A = vector.shape_cast %reduce_sum3A_31 : vector<4096xf32> to vector<4096x1xf32>
    %div3A = arith.constant 1.280000e+02 : f32
    %div3A_32 = vector.broadcast %div3A : f32 to vector<4096x1xf32>
    %div3A_33 = arith.divf %broadcast_in_dim3A, %div3A_32 : vector<4096x1xf32>
    %sub3A = vector.broadcast %div3A_33 : vector<4096x1xf32> to vector<4096x128xf32>
    %sub3A_34 = arith.subf %add3A_30, %sub3A : vector<4096x128xf32>
    %integer_pow3A = arith.mulf %sub3A_34, %sub3A_34 : vector<4096x128xf32>
    %reduce_sum3A_35 = arith.constant dense<0.000000e+00> : vector<4096xf32>
    %reduce_sum3A_36 = vector.multi_reduction <add>, %integer_pow3A, %reduce_sum3A_35 [1] : vector<4096x128xf32> to vector<4096xf32>
    %broadcast_in_dim3A_37 = vector.shape_cast %reduce_sum3A_36 : vector<4096xf32> to vector<4096x1xf32>
    %div3A_38 = arith.constant 1.280000e+02 : f32
    %div3A_39 = vector.broadcast %div3A_38 : f32 to vector<4096x1xf32>
    %div3A_40 = arith.divf %broadcast_in_dim3A_37, %div3A_39 : vector<4096x1xf32>
    %sub3A_41 = vector.broadcast %div3A_33 : vector<4096x1xf32> to vector<4096x128xf32>
    %sub3A_42 = arith.subf %add3A_30, %sub3A_41 : vector<4096x128xf32>
    %add3A_43 = arith.constant 9.99999974E-6 : f32
    %add3A_44 = vector.broadcast %add3A_43 : f32 to vector<4096x1xf32>
    %add3A_45 = arith.addf %div3A_40, %add3A_44 : vector<4096x1xf32>
    %sqrt3A = math.sqrt %add3A_45 : vector<4096x1xf32>
    %div3A_46 = vector.broadcast %sqrt3A : vector<4096x1xf32> to vector<4096x128xf32>
    %div3A_47 = arith.divf %sub3A_42, %div3A_46 : vector<4096x128xf32>
    %get3A_48 = arith.constant 0 : index
    %get3A_49 = arith.constant 0 : index
    %get3A_50 = vector.load %arg10[%get3A_48, %get3A_49] : memref<1x128xf32, #tpu.memory_space<vmem>>, vector<1x128xf32>
    %mul3A_51 = vector.broadcast %get3A_50 : vector<1x128xf32> to vector<4096x128xf32>
    %mul3A_52 = arith.mulf %div3A_47, %mul3A_51 : vector<4096x128xf32>
    %get3A_53 = arith.constant 0 : index
    %get3A_54 = arith.constant 0 : index
    %get3A_55 = vector.load %arg11[%get3A_53, %get3A_54] : memref<1x128xf32, #tpu.memory_space<vmem>>, vector<1x128xf32>
    %add3A_56 = vector.broadcast %get3A_55 : vector<1x128xf32> to vector<4096x128xf32>
    %add3A_57 = arith.addf %mul3A_52, %add3A_56 : vector<4096x128xf32>
    %max3A = arith.constant 0.000000e+00 : f32
    %max3A_58 = vector.broadcast %max3A : f32 to vector<4096x128xf32>
    %max3A_59 = arith.maximumf %add3A_57, %max3A_58 : vector<4096x128xf32>
    %get3A_60 = arith.constant 0 : index
    %get3A_61 = arith.constant 0 : index
    %get3A_62 = vector.load %arg7[%get3A_60, %get3A_61] : memref<128x128xf32, #tpu.memory_space<vmem>>, vector<128x128xf32>
    %dot_general3A_63 = arith.constant dense<0.000000e+00> : vector<4096x128xf32>
    %dot_general3A_64 = tpu.matmul %max3A_59, %get3A_62, %dot_general3A_63 {dimension_numbers = #tpu.dot_dimension_numbers<[1], [0], [0], [1], [0, 0, 1, 1], [], []>, transpose_lhs_hint = false} : vector<4096x128xf32>, vector<128x128xf32>, vector<4096x128xf32> -> vector<4096x128xf32>
    %get3A_65 = arith.constant 0 : index
    %get3A_66 = arith.constant 0 : index
    %get3A_67 = vector.load %arg8[%get3A_65, %get3A_66] : memref<128x1024xf32, #tpu.memory_space<vmem>>, vector<128x1024xf32>
    %dot_general3A_68 = arith.constant dense<0.000000e+00> : vector<512x1024xf32>
    %dot_general3A_69 = tpu.matmul %mul3A, %get3A_67, %dot_general3A_68 {dimension_numbers = #tpu.dot_dimension_numbers<[1], [0], [0], [1], [0, 0, 1, 1], [], []>, transpose_lhs_hint = false} : vector<512x128xf32>, vector<128x1024xf32>, vector<512x1024xf32> -> vector<512x1024xf32>
    %reshape3A_70 = vector.shape_cast %dot_general3A_69 : vector<512x1024xf32> to vector<512x8x128xf32>
    %reshape3A_71 = vector.shape_cast %reshape3A_70 : vector<512x8x128xf32> to vector<4096x128xf32>
    %add3A_72 = arith.addf %dot_general3A_64, %reshape3A_71 : vector<4096x128xf32>
    %get3A_73 = arith.constant 0 : index
    %get3A_74 = arith.constant 0 : index
    %get3A_75 = vector.load %arg9[%get3A_73, %get3A_74] : memref<1x128xf32, #tpu.memory_space<vmem>>, vector<1x128xf32>
    %add3A_76 = vector.broadcast %get3A_75 : vector<1x128xf32> to vector<4096x128xf32>
    %add3A_77 = arith.addf %add3A_72, %add3A_76 : vector<4096x128xf32>
    %reduce_sum3A_78 = arith.constant dense<0.000000e+00> : vector<4096xf32>
    %reduce_sum3A_79 = vector.multi_reduction <add>, %add3A_77, %reduce_sum3A_78 [1] : vector<4096x128xf32> to vector<4096xf32>
    %broadcast_in_dim3A_80 = vector.shape_cast %reduce_sum3A_79 : vector<4096xf32> to vector<4096x1xf32>
    %div3A_81 = arith.constant 1.280000e+02 : f32
    %div3A_82 = vector.broadcast %div3A_81 : f32 to vector<4096x1xf32>
    %div3A_83 = arith.divf %broadcast_in_dim3A_80, %div3A_82 : vector<4096x1xf32>
    %sub3A_84 = vector.broadcast %div3A_83 : vector<4096x1xf32> to vector<4096x128xf32>
    %sub3A_85 = arith.subf %add3A_77, %sub3A_84 : vector<4096x128xf32>
    %integer_pow3A_86 = arith.mulf %sub3A_85, %sub3A_85 : vector<4096x128xf32>
    %reduce_sum3A_87 = arith.constant dense<0.000000e+00> : vector<4096xf32>
    %reduce_sum3A_88 = vector.multi_reduction <add>, %integer_pow3A_86, %reduce_sum3A_87 [1] : vector<4096x128xf32> to vector<4096xf32>
    %broadcast_in_dim3A_89 = vector.shape_cast %reduce_sum3A_88 : vector<4096xf32> to vector<4096x1xf32>
    %div3A_90 = arith.constant 1.280000e+02 : f32
    %div3A_91 = vector.broadcast %div3A_90 : f32 to vector<4096x1xf32>
    %div3A_92 = arith.divf %broadcast_in_dim3A_89, %div3A_91 : vector<4096x1xf32>
    %sub3A_93 = vector.broadcast %div3A_83 : vector<4096x1xf32> to vector<4096x128xf32>
    %sub3A_94 = arith.subf %add3A_77, %sub3A_93 : vector<4096x128xf32>
    %add3A_95 = arith.constant 9.99999974E-6 : f32
    %add3A_96 = vector.broadcast %add3A_95 : f32 to vector<4096x1xf32>
    %add3A_97 = arith.addf %div3A_92, %add3A_96 : vector<4096x1xf32>
    %sqrt3A_98 = math.sqrt %add3A_97 : vector<4096x1xf32>
    %div3A_99 = vector.broadcast %sqrt3A_98 : vector<4096x1xf32> to vector<4096x128xf32>
    %div3A_100 = arith.divf %sub3A_94, %div3A_99 : vector<4096x128xf32>
    %get3A_101 = arith.constant 0 : index
    %get3A_102 = arith.constant 0 : index
    %get3A_103 = vector.load %arg12[%get3A_101, %get3A_102] : memref<1x128xf32, #tpu.memory_space<vmem>>, vector<1x128xf32>
    %mul3A_104 = vector.broadcast %get3A_103 : vector<1x128xf32> to vector<4096x128xf32>
    %mul3A_105 = arith.mulf %div3A_100, %mul3A_104 : vector<4096x128xf32>
    %get3A_106 = arith.constant 0 : index
    %get3A_107 = arith.constant 0 : index
    %get3A_108 = vector.load %arg13[%get3A_106, %get3A_107] : memref<1x128xf32, #tpu.memory_space<vmem>>, vector<1x128xf32>
    %add3A_109 = vector.broadcast %get3A_108 : vector<1x128xf32> to vector<4096x128xf32>
    %add3A_110 = arith.addf %mul3A_105, %add3A_109 : vector<4096x128xf32>
    %max3A_111 = arith.constant 0.000000e+00 : f32
    %max3A_112 = vector.broadcast %max3A_111 : f32 to vector<4096x128xf32>
    %max3A_113 = arith.maximumf %add3A_110, %max3A_112 : vector<4096x128xf32>
    %swap3A = arith.constant 0 : index
    %swap3A_114 = arith.constant 0 : index
    %swap3A_115 = vector.load %arg14[%swap3A, %swap3A_114] : memref<4096x128xf32, #tpu.memory_space<vmem>>, vector<4096x128xf32>
    tpu.vector_store %arg14[%swap3A, %swap3A_114], %max3A_113 {strides = array<i32>} : memref<4096x128xf32, #tpu.memory_space<vmem>>, vector<4096x128xf32>,
    return
  }
  func.func @transform_0(%arg0: i32) -> (i32, i32, i32) {
    %c0_i32 = arith.constant 0 : i32
    %c0_i32_0 = arith.constant 0 : i32
    %c0_i32_1 = arith.constant 0 : i32
    return %c0_i32, %arg0, %c0_i32_0 : i32, i32, i32
  }
  func.func @transform_1(%arg0: i32) -> (i32, i32) {
    %c0_i32 = arith.constant 0 : i32
    %c0_i32_0 = arith.constant 0 : i32
    return %arg0, %c0_i32 : i32, i32
  }
  func.func @transform_2(%arg0: i32) -> (i32, i32) {
    %c0_i32 = arith.constant 0 : i32
    %c0_i32_0 = arith.constant 0 : i32
    return %arg0, %c0_i32 : i32, i32
  }
  func.func @transform_3(%arg0: i32) -> (i32, i32) {
    %c0_i32 = arith.constant 0 : i32
    %c0_i32_0 = arith.constant 0 : i32
    %c0_i32_1 = arith.constant 0 : i32
    return %c0_i32, %c0_i32_0 : i32, i32
  }
  func.func @transform_4(%arg0: i32) -> (i32, i32) {
    %c0_i32 = arith.constant 0 : i32
    %c0_i32_0 = arith.constant 0 : i32
    %c0_i32_1 = arith.constant 0 : i32
    return %c0_i32, %c0_i32_0 : i32, i32
  }
  func.func @transform_5(%arg0: i32) -> (i32, i32) {
    %c0_i32 = arith.constant 0 : i32
    %c0_i32_0 = arith.constant 0 : i32
    %c0_i32_1 = arith.constant 0 : i32
    return %c0_i32, %c0_i32_0 : i32, i32
  }
  func.func @transform_6(%arg0: i32) -> (i32, i32) {
    %c0_i32 = arith.constant 0 : i32
    %c0_i32_0 = arith.constant 0 : i32
    %c0_i32_1 = arith.constant 0 : i32
    return %c0_i32, %c0_i32_0 : i32, i32
  }
  func.func @transform_7(%arg0: i32) -> (i32, i32) {
    %c0_i32 = arith.constant 0 : i32
    %c0_i32_0 = arith.constant 0 : i32
    %c0_i32_1 = arith.constant 0 : i32
    return %c0_i32, %c0_i32_0 : i32, i32
  }
  func.func @transform_8(%arg0: i32) -> (i32, i32) {
    %c0_i32 = arith.constant 0 : i32
    %c0_i32_0 = arith.constant 0 : i32
    %c0_i32_1 = arith.constant 0 : i32
    return %c0_i32, %c0_i32_0 : i32, i32
  }
  func.func @transform_9(%arg0: i32) -> (i32, i32) {
    %c0_i32 = arith.constant 0 : i32
    %c0_i32_0 = arith.constant 0 : i32
    %c0_i32_1 = arith.constant 0 : i32
    return %c0_i32, %c0_i32_0 : i32, i32
  }
  func.func @transform_10(%arg0: i32) -> (i32, i32) {
    %c0_i32 = arith.constant 0 : i32
    %c0_i32_0 = arith.constant 0 : i32
    %c0_i32_1 = arith.constant 0 : i32
    return %c0_i32, %c0_i32_0 : i32, i32
  }
  func.func @transform_11(%arg0: i32) -> (i32, i32) {
    %c0_i32 = arith.constant 0 : i32
    %c0_i32_0 = arith.constant 0 : i32
    %c0_i32_1 = arith.constant 0 : i32
    return %c0_i32, %c0_i32_0 : i32, i32
  }
  func.func @transform_12(%arg0: i32) -> (i32, i32) {
    %c0_i32 = arith.constant 0 : i32
    %c0_i32_0 = arith.constant 0 : i32
    %c0_i32_1 = arith.constant 0 : i32
    return %c0_i32, %c0_i32_0 : i32, i32
  }
  func.func @transform_13(%arg0: i32) -> (i32, i32) {
    %c0_i32 = arith.constant 0 : i32
    %c0_i32_0 = arith.constant 0 : i32
    return %arg0, %c0_i32 : i32, i32
  }
}

</mosaic_0001>

<sc_bundles>
// kernel: kernel.4.cloned.1.call-start
scs
__scs_entry_jumppad:
0x0: {  	(pc) =	sbr.rel $0x88, $3  }
0x1: {  	(tag) =	ssettag $0x0;
	lr =	simm.s32 $0x1  }
0x2: {  	[smem:$0x3F95] =	sst lr;
	_ =	strace $0xD0000000  }
0x3: {  	_ = 	snop  }
0x4: {  	_ = 	snop  }
0x5: {  	_ = 	snop  }
0x6: {  	_ = 	snop  }
0x7: {  	_ = 	snop  }
__scs_overlays_trampoline_lowered:
0x8: {  	[smem:$0x3FA4] =	sst s0  }
0x9: {  	[smem:$0x3FA5] =	sst s1  }
0xa: {  	[smem:$0x3FA6] =	sst s2  }
0xb: {  	[smem:$0x3FA7] =	sst s3  }
0xc: {  	[smem:$0x3FA8] =	sst s4  }
0xd: {  	[smem:$0x3FA9] =	sst s5  }
0xe: {  	[smem:$0x3FAA] =	sst s6  }
0xf: {  	[smem:$0x3FAB] =	sst s7  }
0x10: {  	[smem:$0x3FAC] =	sst s8  }
0x11: {  	[smem:$0x3FAD] =	sst s9;
	s0 =	simm.s32 @!p0 $0x0  }
0x12: {  	s1 =	sld [smem:$0x3F93];
	s0 =	simm.s32 @p0 $0x1  }
0x13: {  	[smem:$0x3FAE] =	sst s0;
	s0 =	simm.s32 @!p1 $0x0  }
0x14: {  	s2 =	sld [smem:$0x3F92];
	s0 =	simm.s32 @p1 $0x1  }
0x15: {  	[smem:$0x3FAF] =	sst s0;
	s0 =	simm.s32 @!p2 $0x0  }
0x16: {  	s3 =	sld [smem:$0x3FDB];
	s0 =	simm.s32 @p2 $0x1  }
0x17: {  	s4 =	simm.s32 $0x1BF5;
	[smem:$0x3FB1] =	sst s0  }
0x18: {  	s0 =	sld [smem:$0x3F94];
	_ =	swait.ge [sflag:s4], $0x0  }
0x19: {  	s7 =	sld [smem:$0x3F95]  }
0x1a: {  	s8 =	sadd.s32 $0xFFFFE003, lr  }
0x1b: {  	s9 =	sadd.s32 $0xFFFFFEF7, lr;
	s5 =	simm.s32 $0xFFFFFFFF;
	p2 =	slt.u32 s8, $0xFFFFF086  }
0x1c: {  	p1 =	slt.u32 s9, $0xF7A;
	s5 =	simm.s32 @!p2 $0x0  }
0x1d: {  	s5 =	simm.s32 @p1 $0x1;
	p0 =	seq.s32 s7, s2  }
0x1e: {  	s7 =	smul.u32 @!p0 $0xF7A, s2;
	p2 =	seq.s32 @!p0 s5, $0x0  }
0x1f: {  	s9 =	smul.u32 $0xF7A, s1;
	s8 =	simm.s32 @!p0 $0x1BF5;
	p2 =	por !p2, p0  }
0x20: {  	[sflag:s8] =	ssyncset.s32 @!p0 $0xFFFFF086;
	s6 =	sadd.s32 @!p0 s3, s7;
	s7 =	simm.s32 @!p0 $0x108  }
0x21: {  	s3 =	sadd.s32 s3, s9;
	s6 =	sadd.s32 @!p0 $0x88, s6;
	s7 =	simm.s32 @p2 $0x1082  }
0x22: {  	[simem:s7], [sflag:s8] =	dma.local @!p0 [hbm:s6], $0xF7A  }
0x23: {  	s9 =	sor.u32 $0xD0000000, s2;
	s6 =	simm.s32 $0x108;
	_ =	swait.ge @!p0 [sflag:s8], $0x0  }
0x24: {  	s3 =	sadd.s32 $0x88, s3;
	s6 =	simm.s32 @!p1 $0x1082;
	[sflag:s4] =	ssyncset.s32 $0xFFFFF086  }
0x25: {  	[simem:s6], [sflag:s4] =	dma.local [hbm:s3], $0xF7A  }
0x26: {  	[smem:$0x3F95] =	sst s1;
	(tag) =	ssettag s2;
	_ =	strace s9  }
0x27: {  	s1 =	sld [smem:$0x3FA5]  }
0x28: {  	s2 =	sld [smem:$0x3FA6]  }
0x29: {  	s4 =	sld [smem:$0x3FA8]  }
0x2a: {  	p0 =	seq.s32 s5, $0x0;
	s5 =	sld [smem:$0x3FA9]  }
0x2b: {  	s6 =	sld [smem:$0x3FAA]  }
0x2c: {  	s7 =	sld [smem:$0x3FAB]  }
0x2d: {  	s3 =	simm.s32 $0x108;
	s8 =	sld [smem:$0x3FAC]  }
0x2e: {  	s3 =	simm.s32 @!p0 $0x1082;
	s9 =	sld [smem:$0x3FAD]  }
0x2f: {  	lr =	sadd.s32 s0, s3;
	s0 =	sld [smem:$0x3FA4]  }
0x30: {  	s3 =	sld [smem:$0x3FA7]  }
0x31: {  	[smem:$0x3FB0] =	sst s10  }
0x32: {  	s10 =	sld [smem:$0x3FAE];
	_ =	sdelay $0x3  }
0x33: {  	p0 =	seq.s32 s10, $0x1;
	s10 =	sld [smem:$0x3FB0];
	_ =	sdelay $0x3  }
0x34: {  	[smem:$0x3FB0] =	sst s10  }
0x35: {  	s10 =	sld [smem:$0x3FAF];
	_ =	sdelay $0x3  }
0x36: {  	p1 =	seq.s32 s10, $0x1;
	s10 =	sld [smem:$0x3FB0];
	_ =	sdelay $0x3  }
0x37: {  	[smem:$0x3FB0] =	sst s10  }
0x38: {  	s10 =	sld [smem:$0x3FB1]  }
0x39: {  	_ = 	snop;
	(pc) =	sbr.ind lr, $3  }
0x3a: {  	_ = 	snop  }
0x3b: {  	_ = 	snop  }
0x3c: {  	p2 =	seq.s32 s10, $0x1;
	s10 =	sld [smem:$0x3FB0]  }
0x3d: {  	_ =	shalt  }
0x3e: {  	_ =	shalt  }
0x3f: {  	_ =	shalt  }
0x40: {  	_ =	shalt  }
0x41: {  	_ =	shalt  }
0x42: {  	_ =	shalt  }
0x43: {  	_ =	shalt  }
0x44: {  	_ =	shalt  }
0x45: {  	_ =	shalt  }
0x46: {  	_ =	shalt  }
0x47: {  	_ =	shalt  }
0x48: {  	_ =	shalt  }
0x49: {  	_ =	shalt  }
0x4a: {  	_ =	shalt  }
0x4b: {  	_ =	shalt  }
0x4c: {  	_ =	shalt  }
0x4d: {  	_ =	shalt  }
0x4e: {  	_ =	shalt  }
0x4f: {  	_ =	shalt  }
0x50: {  	_ =	shalt  }
0x51: {  	_ =	shalt  }
0x52: {  	_ =	shalt  }
0x53: {  	_ =	shalt  }
0x54: {  	_ =	shalt  }
0x55: {  	_ =	shalt  }
0x56: {  	_ =	shalt  }
0x57: {  	_ =	shalt  }
0x58: {  	_ =	shalt  }
0x59: {  	_ =	shalt  }
0x5a: {  	_ =	shalt  }
0x5b: {  	_ =	shalt  }
0x5c: {  	_ =	shalt  }
0x5d: {  	_ =	shalt  }
0x5e: {  	_ =	shalt  }
0x5f: {  	_ =	shalt  }
0x60: {  	_ =	shalt  }
0x61: {  	_ =	shalt  }
0x62: {  	_ =	shalt  }
0x63: {  	_ =	shalt  }
0x64: {  	_ =	shalt  }
0x65: {  	_ =	shalt  }
0x66: {  	_ =	shalt  }
0x67: {  	_ =	shalt  }
0x68: {  	_ =	shalt  }
0x69: {  	_ =	shalt  }
0x6a: {  	_ =	shalt  }
0x6b: {  	_ =	shalt  }
0x6c: {  	_ =	shalt  }
0x6d: {  	_ =	shalt  }
0x6e: {  	_ =	shalt  }
0x6f: {  	_ =	shalt  }
0x70: {  	_ =	shalt  }
0x71: {  	_ =	shalt  }
0x72: {  	_ =	shalt  }
0x73: {  	_ =	shalt  }
0x74: {  	_ =	shalt  }
0x75: {  	_ =	shalt  }
0x76: {  	_ =	shalt  }
0x77: {  	_ =	shalt  }
0x78: {  	_ =	shalt  }
0x79: {  	_ =	shalt  }
0x7a: {  	_ =	shalt  }
0x7b: {  	_ =	shalt  }
0x7c: {  	_ =	shalt  }
0x7d: {  	_ =	shalt  }
0x7e: {  	_ =	shalt  }
0x7f: {  	_ =	shalt  }
0x80: {  	_ =	shalt  }
0x81: {  	_ =	shalt  }
0x82: {  	_ =	shalt  }
0x83: {  	_ =	shalt  }
0x84: {  	_ =	shalt  }
0x85: {  	_ =	shalt  }
0x86: {  	_ =	shalt  }
0x87: {  	_ =	shalt  }
.Lfunc_end0:
.L_simem_size_0:
called_computation_lowered:
.L_overlay_start_0:
0x88: {  	s2 =	sld [smem:$0x3FD9]  }
0x89: {  	s3 =	sld [smem:$0x3FFE];
	_ =	sdelay $0x1  }
0x8a: {  	s1 =	srdreg.scid  }
0x8b: {  	s0 =	sand.u32 $0x1, s1  }
0x8c: {  	s17 =	sshll.u32 s0, $0xA;
	s2 =	sadd.s32 s3, s2  }
0x8d: {  	s2 =	sadd.s32 s2, s17  }
0x8e: {  	[smem:$0x3FBC] =	sst s2  }
0x8f: {  	_ = 	snop  }
0x90: {  	s2 =	sld [smem:$0x3FC8]  }
0x91: {  	s18 =	sld [smem:$0x3FD0];
	(tm) =	ssettm $0x1  }
0x92: {  	s4 =	sld [smem:$0x3FFB];
	_ =	sdelay $0x3  }
0x93: {  	_ =	strace s4  }
0x94: {  	s4 =	sld [smem:$0x3FFC];
	_ =	sdelay $0x3  }
0x95: {  	_ =	strace s4  }
0x96: {  	s4 =	sld [smem:$0x3FFD];
	_ =	sdelay $0x3  }
0x97: {  	_ =	strace s4  }
0x98: {  	_ =	strace $0x8FFFFFFF  }
0x99: {  	s19 =	sld [smem:$0x3FDB];
	_ =	sdelay $0x1  }
0x9a: {  	s5 =	simm.s32 $_scs_section_size  }
0x9b: {  	s6 =	simm.s32 $_size__tile_overlayer_lowered;
	s7 =	simm.s32 $_tile_overlayer_lowered  }
0x9c: {  	s22 =	simm.s32 $0x1BFF;
	s21 =	sshll.u32 s7, $0x1;
	s4 =	sadd.s32 s5, s19  }
0x9d: {  	s8 =	simm.s32 $0x0;
	s20 =	sshll.u32 s6, $0x1;
	s6 =	sadd.s32 s21, s4  }
0x9e: {  	[timem:s8], [sflag:s22] =	dma.local [hbm:s6], s20  }
0x9f: {  	_ =	swait.ge [sflag:s22], s20  }
0xa0: {  	s5 =	ssub.s32 $0x0, s20;
	[sflag:s22] =	ssyncset.done $0x0  }
0xa1: {  	[sflag:s22] =	ssyncadd.s32 s5;
	_ =	sdelay $0x1  }
0xa2: {  	s23 =	simm.s32 $0x1B8B  }
0xa3: {  	_ =	swait.ge [sflag:s23], $0x1  }
0xa4: {  	[sflag:s23] =	ssyncset.done $0x0  }
0xa5: {  	s25 =	simm.s32 $0x1B8E;
	s24 =	sld [smem:$0x3FFE];
	[sflag:s23] =	ssyncadd.s32 $0xFFFFFFFF  }
0xa6: {  	s26 =	simm.s32 $execute0_lowered;
	[smem:$0x3FD2] =	sst s25  }
0xa7: {  	s6 =	sshll.u32 s26, $0x1;
	_ =	strace $0x80000046;
	[dreg:$0x1] =	wrdreg $0xFFFFFFFF  }
0xa8: {  	s28 =	simm.s32 $_size_execute0_lowered;
	s4 =	sadd.s32 s4, s6;
	[dreg:$0x0] =	wrdreg $0x0  }
0xa9: {  	s6 =	sshll.u32 s28, $0x1;
	[dreg:$0x2] =	wrdreg s4  }
0xaa: {  	[dreg:$0x3] =	wrdreg s6  }
0xab: {  	[dreg:$0x4] =	wrdreg $0xC0  }
0xac: {  	_ =	task [dreg:s8], $0x5FFFF  }
0xad: {  	[dreg:$0x1] =	wrdreg $0xFFFFFFFF  }
0xae: {  	[dreg:$0x0] =	wrdreg $0x60  }
0xaf: {  	[dreg:$0x2] =	wrdreg s2  }
0xb0: {  	[dreg:$0x3] =	wrdreg s24  }
0xb1: {  	[dreg:$0x4] =	wrdreg s18  }
0xb2: {  	[dreg:$0x5] =	wrdreg $0x64000  }
0xb3: {  	[dreg:$0x6] =	wrdreg $0x9  }
0xb4: {  	_ =	task.clear_ibuf [dreg:s8], $0x7FFFF;
	_ =	strace $0x90000046  }
0xb5: {  	s29 =	simm.s32 $0x9;
	_ =	strace $0x80000048  }
0xb6: {  	_ =	swait.ge [sflag:s29], $0x1  }
0xb7: {  	[sflag:s29] =	ssyncadd.s32 $0xFFFFFFFF  }
0xb8: {  	_ =	strace $0x90000048  }
0xb9: {  	_ =	sfence  }
0xba: {  	s30 =	sld [smem:$0x0];
	_ =	sdelay $0x2  }
0xbb: {  	s31 =	sshll.u32 s1, $0xD;
	s1 =	sshrl.u32 s1, $0x2  }
0xbc: {  	s3 =	sand.u32 $0x4000, s31;
	s1 =	sadd.s32 s1, s30  }
0xbd: {  	s0 =	sor.u32 s3, s0;
	s1 =	sshll.u32 s1, $0x11  }
0xbe: {  	s0 =	sor.u32 s1, s0  }
0xbf: {  	s0 =	sadd.s32 $0x8F2B, s0  }
0xc0: {  	[sflag:s0] =	ssyncadd.remote.s32 $0x1  }
0xc1: {  	_ =	sfence.sel $0xFFFF  }
0xc2: {  	[dreg:$0x0] =	wrdreg $0xFFFFFFFF;
	(pc) =	sbr.abs _section_cstart, $3  }
0xc3: {  	[dreg:$0x1] =	wrdreg $0xFFFFFFFF  }
0xc4: {  	_ =	task.clear_ibuf [dreg:s8], $0x2FFFF;
	_ =	strace $0x9FFFFFFF  }
0xc5: {  	(tm) =	ssettm $0x7FFFFFFF  }
tec
execute0_lowered:
.L_overlay_start_1:
0x0: {  	(tag) =	ssettag $0x1  }
0x1: {  	s1 =	rddreg [dreg:$0x0]  }
0x2: {  	s6 =	rddreg [dreg:$0x1]  }
0x3: {  	s12 =	rddreg [dreg:$0x2]  }
0x4: {  	s3 =	rddreg [dreg:$0x3]  }
0x5: {  	s0 =	rddreg [dreg:$0x4]  }
0x6: {  	s4 =	simm.s32 $0x0;
	s2 =	stileid.u32;
	s5 =	srdreg.scid  }
0x7: {  	s19 =	simm.s32 $0x3200;
	s20 =	simm.s32 $0x1900;
	s21 =	simm.s32 $0x4B00  }
0x8: {  	s22 =	simm.s32 $0x1;
	s23 =	simm.s32 $0x2;
	s24 =	simm.s32 $0x0  }
0x9: {  	[smem:$0x7FF] =	sst s4;
	s8 =	sand.u32 $0x1, s5;
	s10 =	smul.u32 $0x18700, s2  }
0xa: {  	s25 =	sshll.u32 s2, $0x1;
	s5 =	sadd.s32 $0x2000, s6;
	s16 =	smul.u32 $0x3200, s2  }
0xb: {  	s29 =	sshll.u32 s2, $0x6;
	_ =	strace $0x80000047;
	s28 =	smul.u32 $0x187000, s8  }
0xc: {  	s7 =	sor.u32 s8, s25;
	s9 =	ssub.s32 $0x2, s8;
	s18 =	smul.u32 $0x1900, s8  }
0xd: {  	s11 =	smul.u32 $0x320, s7;
	s13 =	sshrl.u32 s10, $0x3;
	s14 =	sshrl.u32 s9, $0x1  }
0xe: {  	s15 =	smul.u32 $0x1900, s7;
	s17 =	sadd.s32 s10, s3;
	s7 =	sor.u32 $0x1C03, s29  }
0xf: {  	s6 =	sadd.s32 s13, s6;
	s26 =	ssub.s32 s9, s14;
	s14 =	sadd.s32 s10, s28  }
0x10: {  	s16 =	sadd.s32 s18, s16;
	s17 =	sshrl.u32 s17, $0x3;
	s18 =	simm.s32 $0x3  }
0x11: {  	s6 =	sadd.s32 $0x61C800, s6;
	s8 =	sadd.s32 s1, s11;
	s9 =	sadd.s32 s5, s11  }
0x12: {  	s30 =	sshrl.u32 s15, $0x3;
	s14 =	sshrl.u32 s14, $0x3;
	s31 =	sadd.s32 $0x96000, s16  }
0x13: {  	s13 =	smax.u32 s26, $0x1;
	s16 =	sadd.s32 $0x64000, s16;
	s11 =	sadd.s32 $0x6400, s30  }
0x14: {  	s12 =	sadd.s32 s12, s14;
	s15 =	sshrl.u32 s31, $0x3;
	s10 =	sadd.s32 s1, s11  }
0x15: {  	s11 =	sadd.s32 s5, s11;
	s14 =	sadd.s32 s15, s5;
	s15 =	sadd.s32 s15, s1  }
.LBB2_1:
0x16: {  	[spmem:s17], [sflag:s7] =	dma.local [hbm:s6], $0x30E0  }
0x17: {  	_ =	swait.ge [sflag:s18], $0x30E0  }
0x18: {  	[sflag:s18] =	ssyncset.done $0x0  }
0x19: {  	[sflag:s18] =	ssyncadd.s32 $0xFFFFCF20  }
0x1a: {  	[bflag:$0x0] =	sbarrier.arrive $0xFFFF  }
0x1b: {  	[tilespmem:s4], [sflag:$0x1] =	stream.linear.gather [hbm4b:s8+s4], $0x1900, $0x38;
	[tilespmem:$0x1EB00] =	vst v63  }
0x1c: {  	_ = 	snop  }
0x1d: {  	[tilespmem:s19], [sflag:$0x1] =	stream.linear.gather [hbm4b:s9+s4], $0x1900, $0x38;
	[tilespmem:$0x1EB00] =	vst v63  }
0x1e: {  	_ = 	snop  }
0x1f: {  	[tilespmem:s20], [sflag:$0x2] =	stream.linear.gather [hbm4b:s10+s4], $0x1900, $0x38;
	[tilespmem:$0x1EB00] =	vst v63  }
0x20: {  	_ = 	snop  }
0x21: {  	[tilespmem:s21], [sflag:$0x2] =	stream.linear.gather [hbm4b:s11+s4], $0x1900, $0x38;
	[tilespmem:$0x1EB00] =	vst v63  }
0x22: {  	_ =	swait.ge [sflag:s22], $0x1900  }
0x23: {  	[sflag:s22] =	ssyncset.done $0x0  }
0x24: {  	[sflag:s22] =	ssyncadd.s32 $0xFFFFE700  }
0x25: {  	_ =	swait.ge [sflag:s22], $0x1900  }
0x26: {  	[sflag:s22] =	ssyncset.done $0x0  }
0x27: {  	[sflag:s22] =	ssyncadd.s32 $0xFFFFE700  }
0x28: {  	[spmem:s3] =	stream.indirect.scatter.add.f32 [tilespmem:s4], [sflag:$0x3], $0x1, s19, s20, $0xb8;
	[tilespmem:$0x1EB00] =	vst v63  }
0x29: {  	_ =	swait.ge [sflag:s18], $0x1900  }
0x2a: {  	s25 =	sshrl.u32 s16, $0x3;
	[sflag:s18] =	ssyncset.done $0x0  }
0x2b: {  	s26 =	sadd.s32 s1, s25;
	[sflag:s18] =	ssyncadd.s32 $0xFFFFE700  }
0x2c: {  	[tilespmem:s4], [sflag:$0x1] =	stream.linear.gather [hbm4b:s26+s4], $0x1900, $0x38;
	[tilespmem:$0x1EB00] =	vst v63  }
0x2d: {  	s25 =	sadd.s32 s5, s25  }
0x2e: {  	[tilespmem:s19], [sflag:$0x1] =	stream.linear.gather [hbm4b:s25+s4], $0x1900, $0x38;
	[tilespmem:$0x1EB00] =	vst v63  }
0x2f: {  	_ =	swait.ge [sflag:s23], $0x1900  }
0x30: {  	[sflag:s23] =	ssyncset.done $0x0  }
0x31: {  	[sflag:s23] =	ssyncadd.s32 $0xFFFFE700  }
0x32: {  	_ =	swait.ge [sflag:s23], $0x1900  }
0x33: {  	[sflag:s23] =	ssyncset.done $0x0  }
0x34: {  	[sflag:s23] =	ssyncadd.s32 $0xFFFFE700  }
0x35: {  	[spmem:s3] =	stream.indirect.scatter.add.f32 [tilespmem:s20], [sflag:$0x3], $0x1, s21, s20, $0xb8;
	[tilespmem:$0x1EB00] =	vst v63  }
0x36: {  	_ =	swait.ge [sflag:s18], $0x1900  }
0x37: {  	s31 =	sadd.s32 $0x0, s15;
	s28 =	sadd.s32 $0x0, s14;
	[sflag:s18] =	ssyncset.done $0x0  }
0x38: {  	s26 =	sadd.s32 $0x64000, s16;
	s25 =	simm.s32 $0xC800;
	[sflag:s18] =	ssyncadd.s32 $0xFFFFE700  }
0x39: {  	[tilespmem:s20], [sflag:$0x2] =	stream.linear.gather [hbm4b:s31+s4], $0x1900, $0x38;
	[tilespmem:$0x1EB00] =	vst v63  }
.LBB2_2:
0x3a: {  	[tilespmem:s21], [sflag:$0x2] =	stream.linear.gather [hbm4b:s28+s4], $0x1900, $0x38;
	[tilespmem:$0x1EB00] =	vst v63  }
0x3b: {  	s28 =	smov.u32 s25  }
0x3c: {  	p0 =	sne.s32 s25, $0x601800;
	s25 =	sadd.s32 $0xC800, s25;
	_ =	swait.ge [sflag:s22], $0x1900  }
0x3d: {  	[sflag:s22] =	ssyncset.done $0x0  }
0x3e: {  	[sflag:s22] =	ssyncadd.s32 $0xFFFFE700  }
0x3f: {  	_ =	swait.ge [sflag:s22], $0x1900  }
0x40: {  	[sflag:s22] =	ssyncset.done $0x0  }
0x41: {  	[sflag:s22] =	ssyncadd.s32 $0xFFFFE700  }
0x42: {  	[spmem:s3] =	stream.indirect.scatter.add.f32 [tilespmem:s4], [sflag:$0x3], $0x1, s19, s20, $0xb8;
	[tilespmem:$0x1EB00] =	vst v63  }
0x43: {  	_ =	swait.ge [sflag:s18], $0x1900  }
0x44: {  	s29 =	sshrl.u32 s26, $0x3;
	[sflag:s18] =	ssyncset.done $0x0  }
0x45: {  	s30 =	sadd.s32 s1, s29;
	[sflag:s18] =	ssyncadd.s32 $0xFFFFE700  }
0x46: {  	[tilespmem:s4], [sflag:$0x1] =	stream.linear.gather [hbm4b:s30+s4], $0x1900, $0x38;
	[tilespmem:$0x1EB00] =	vst v63  }
0x47: {  	s29 =	sadd.s32 s5, s29  }
0x48: {  	[tilespmem:s19], [sflag:$0x1] =	stream.linear.gather [hbm4b:s29+s4], $0x1900, $0x38;
	[tilespmem:$0x1EB00] =	vst v63  }
0x49: {  	_ =	swait.ge [sflag:s23], $0x1900  }
0x4a: {  	[sflag:s23] =	ssyncset.done $0x0  }
0x4b: {  	[sflag:s23] =	ssyncadd.s32 $0xFFFFE700  }
0x4c: {  	_ =	swait.ge [sflag:s23], $0x1900  }
0x4d: {  	[sflag:s23] =	ssyncset.done $0x0  }
0x4e: {  	[sflag:s23] =	ssyncadd.s32 $0xFFFFE700  }
0x4f: {  	[spmem:s3] =	stream.indirect.scatter.add.f32 [tilespmem:s20], [sflag:$0x3], $0x1, s21, s20, $0xb8;
	[tilespmem:$0x1EB00] =	vst v63  }
.Ltmp0:
0x50: {  	_ =	swait.ge [sflag:s18], $0x1900;
	(pc) =	sbr.rel @p0 .LBB2_2-.Ltmp0, $4  }
0x51: {  	[sflag:s18] =	ssyncset.done $0x0  }
0x52: {  	s29 =	sadd.s32 s28, s15;
	[sflag:s18] =	ssyncadd.s32 $0xFFFFE700  }
0x53: {  	[tilespmem:s20], [sflag:$0x2] =	stream.linear.gather [hbm4b:s29+s4], $0x1900, $0x38;
	[tilespmem:$0x1EB00] =	vst v63  }
0x54: {  	s26 =	sadd.s32 $0x64000, s26;
	s28 =	sadd.s32 s28, s14  }
0x55: {  	[tilespmem:s21], [sflag:$0x2] =	stream.linear.gather [hbm4b:s28+s4], $0x1900, $0x38;
	[tilespmem:$0x1EB00] =	vst v63  }
0x56: {  	_ =	swait.ge [sflag:s22], $0x1900  }
0x57: {  	[sflag:s22] =	ssyncset.done $0x0  }
0x58: {  	[sflag:s22] =	ssyncadd.s32 $0xFFFFE700  }
0x59: {  	_ =	swait.ge [sflag:s22], $0x1900  }
0x5a: {  	[sflag:s22] =	ssyncset.done $0x0  }
0x5b: {  	[sflag:s22] =	ssyncadd.s32 $0xFFFFE700  }
0x5c: {  	[spmem:s3] =	stream.indirect.scatter.add.f32 [tilespmem:s4], [sflag:$0x3], $0x1, s19, s20, $0xb8;
	[tilespmem:$0x1EB00] =	vst v63  }
0x5d: {  	_ =	swait.ge [sflag:s18], $0x1900  }
0x5e: {  	[sflag:s18] =	ssyncset.done $0x0  }
0x5f: {  	[sflag:s18] =	ssyncadd.s32 $0xFFFFE700  }
0x60: {  	_ =	swait.ge [sflag:s23], $0x1900  }
0x61: {  	[sflag:s23] =	ssyncset.done $0x0  }
0x62: {  	[sflag:s23] =	ssyncadd.s32 $0xFFFFE700  }
0x63: {  	_ =	swait.ge [sflag:s23], $0x1900  }
0x64: {  	[sflag:s23] =	ssyncset.done $0x0  }
0x65: {  	[sflag:s23] =	ssyncadd.s32 $0xFFFFE700  }
0x66: {  	[spmem:s3] =	stream.indirect.scatter.add.f32 [tilespmem:s20], [sflag:$0x3], $0x1, s21, s20, $0xb8;
	[tilespmem:$0x1EB00] =	vst v63  }
0x67: {  	_ =	swait.ge [sflag:s18], $0x1900  }
0x68: {  	s24 =	sadd.s32 $0x1, s24;
	[sflag:s18] =	ssyncset.done $0x0  }
0x69: {  	p0 =	sne.s32 s24, s13;
	[sflag:s18] =	ssyncadd.s32 $0xFFFFE700  }
.Ltmp1:
0x6a: {  	[bflag:$0x0] =	sbarrier.arrive $0xFFFF;
	(pc) =	sbr.rel @p0 .LBB2_1-.Ltmp1, $4  }
0x6b: {  	[hbm:s12], [sflag:s7] =	dma.local [spmem:s17], $0x30E0  }
0x6c: {  	_ =	swait.ge [sflag:s18], $0x30E0  }
0x6d: {  	[sflag:s18] =	ssyncset.done $0x0  }
0x6e: {  	[sflag:s18] =	ssyncadd.s32 $0xFFFFCF20  }
0x6f: {  	_ =	sfence.sel $0x180000  }
0x70: {  	[bflag:$0x0] =	sbarrier.arrive $0xFFFF  }
0x71: {  	p0 =	sne.s32 s2, $0x0;
	_ =	strace $0x90000047  }
0x72: {  	s0 =	sadd.s32 @!p0 $0x100000, s0;
	[bflag:$0x2] =	sbarrier.arrive $0xFFFF  }
0x73: {  	[sflag:s0] =	ssyncadd.tile.s32 @!p0 $0x1;
	_ =	shalt  }
.Lfunc_end2:
_tile_overlayer_lowered:
.L_overlay_start_2:
0x74: {  	(tag) =	ssettag $0x2  }
0x75: {  	s0 =	rddreg [dreg:$0x0];
	s2 =	stileid.u32  }
0x76: {  	s1 =	rddreg [dreg:$0x1];
	p0 =	sne.s32 s2, $0x0  }
0x77: {  	s3 =	rddreg [dreg:$0x2];
	[bflag:$0x3] =	sbarrier.arrive $0xFFFF;
	s2 =	simm.s32 @!p0 $0x1C03  }
0x78: {  	[timem:s3], [sflag:s2] =	dma.local @!p0 [hbm:s0], s1  }
0x79: {  	s0 =	simm.s32 @!p0 $0x3  }
0x7a: {  	_ =	swait.ge @!p0 [sflag:s0], s1  }
0x7b: {  	s1 =	ssub.s32 @!p0 $0x0, s1;
	[sflag:s0] =	ssyncset.done @!p0 $0x0  }
0x7c: {  	[sflag:s0] =	ssyncadd.s32 @!p0 s1  }
0x7d: {  	[bflag:$0x3] =	sbarrier.arrive $0xFFFF  }
0x7e: {  	_ =	shalt  }

</sc_bundles>
